<compile_context>
chip_gen: v7x
topology: tpu7x:2x2x1
jax: 0.10.2.dev20260603
libtpu: 0.0.44.dev20260713+nightly
codegen_flags: <defaults>
</compile_context>

<pallas_src>
import functools

import jax
import jax.numpy as jnp
from jax import lax
from jax.experimental import pallas as pl
from jax.experimental.pallas import tpu as pltpu
from jax.experimental.pallas import tpu_sc as plsc

_B = 64
_NOBJ = 128
_P = 256
_D = 512
_RCLS = 51
_ROWS = _B * _NOBJ
_RPAD = 8704
_NPAIR = _B * _P
_NW = 32
_PPW = _NPAIR // _NW
_CH = 16


def _stage1(obj_ref, wf_ref, wg_ref, y0_ref, y1_ref, z_ref):
    f32 = jnp.float32
    o = obj_ref[...]
    y0_ref[...] = jnp.dot(o, wf_ref[:_D], preferred_element_type=f32)
    y1_ref[...] = jnp.dot(o, wf_ref[_D:], preferred_element_type=f32)
    z_ref[...] = jnp.dot(o, wg_ref[...], preferred_element_type=f32)


def _sc_rel(y0_hbm, y1_hbm, z_hbm, i0_hbm, i1_hbm, iz_hbm, bf_hbm, out_hbm,
            i0v, i1v, izv, bfv, y0v, y1v, z0v, z1v, outv, sem):
    wid = lax.axis_index("s") * 2 + lax.axis_index("c")
    base = wid * _PPW
    pltpu.sync_copy(bf_hbm, bfv)

    def chunk(g, _):
        cb = base + g * _CH
        pltpu.sync_copy(i0_hbm.at[pl.ds(cb, _CH)], i0v)
        pltpu.sync_copy(i1_hbm.at[pl.ds(cb, _CH)], i1v)
        pltpu.sync_copy(iz_hbm.at[pl.ds(cb, _CH)], izv)
        pltpu.async_copy(y0_hbm.at[i0v], y0v, sem).wait()
        pltpu.async_copy(y1_hbm.at[i1v], y1v, sem).wait()
        pltpu.async_copy(z_hbm.at[i0v], z0v, sem).wait()
        pltpu.async_copy(z_hbm.at[izv], z1v, sem).wait()

        def pair(j, _):
            def col(t, _):
                sl = pl.ds(t * 16, 16)
                v = (jnp.maximum(z0v[j, sl] + z1v[j, sl], 0.0)
                     + y0v[j, sl] + y1v[j, sl] + bfv[sl])
                outv[j, sl] = v
                return 0

            lax.fori_loop(0, _D // 16, col, 0)
            return 0

        lax.fori_loop(0, _CH, pair, 0)
        pltpu.sync_copy(outv, out_hbm.at[pl.ds(cb, _CH)])
        return 0

    lax.fori_loop(0, _PPW // _CH, chunk, 0)


def _stage3(rel_ref, w1_ref, b1_ref, w2_ref, b2_ref, w3_ref, b3_ref,
            out_ref):
    f32 = jnp.float32
    h = jnp.maximum(jnp.dot(rel_ref[...], w1_ref[...],
                            preferred_element_type=f32) + b1_ref[...], 0.0)
    h = jnp.maximum(jnp.dot(h, w2_ref[...],
                            preferred_element_type=f32) + b2_ref[...], 0.0)
    dist = jnp.dot(h, w3_ref[...], preferred_element_type=f32) + b3_ref[...]
    e = jnp.exp(dist)
    out_ref[...] = e * (1.0 / jnp.sum(e, axis=-1, keepdims=True))


def kernel(obj_feats, pairs, W_fuse, b_fuse, W_gcn, W1, b1, W2, b2, W3, b3):
    f32 = jnp.float32
    i32 = jnp.int32
    objp = jnp.zeros((_RPAD, _D), f32).at[:_ROWS].set(
        obj_feats.reshape(_ROWS, _D))

    blk = _RPAD // 8
    full = lambda shape: pl.BlockSpec(shape, lambda i: (0,) * len(shape))
    y0, y1, z = pl.pallas_call(
        _stage1,
        grid=(8,),
        in_specs=[
            pl.BlockSpec((blk, _D), lambda i: (i, 0)),
            full((2 * _D, _D)),
            full((_D, _D)),
        ],
        out_specs=[
            pl.BlockSpec((blk, _D), lambda i: (i, 0)),
            pl.BlockSpec((blk, _D), lambda i: (i, 0)),
            pl.BlockSpec((blk, _D), lambda i: (i, 0)),
        ],
        out_shape=[jax.ShapeDtypeStruct((_RPAD, _D), f32)] * 3,
    )(objp, W_fuse, W_gcn)

    p = pairs.astype(i32)
    boff = (jnp.arange(_B, dtype=i32) * _NOBJ)[:, None]
    i0 = (p[..., 0] + boff).reshape(_NPAIR)
    i1 = (p[..., 1] + boff).reshape(_NPAIR)
    iz = jnp.where(p[..., 0] == p[..., 1], _ROWS,
                   p[..., 1] + boff).reshape(_NPAIR)

    mesh = plsc.VectorSubcoreMesh(core_axis_name="c", subcore_axis_name="s")
    sc_fn = functools.partial(
        pl.kernel, mesh=mesh,
        out_type=jax.ShapeDtypeStruct((_NPAIR, _D), f32),
        scratch_types=[
            pltpu.VMEM((_CH,), i32),
            pltpu.VMEM((_CH,), i32),
            pltpu.VMEM((_CH,), i32),
            pltpu.VMEM((_D,), f32),
            pltpu.VMEM((_CH, _D), f32),
            pltpu.VMEM((_CH, _D), f32),
            pltpu.VMEM((_CH, _D), f32),
            pltpu.VMEM((_CH, _D), f32),
            pltpu.VMEM((_CH, _D), f32),
            pltpu.SemaphoreType.DMA,
        ],
    )(_sc_rel)
    rel = sc_fn(y0, y1, z, i0, i1, iz, b_fuse)

    out = pl.pallas_call(
        _stage3,
        grid=(16,),
        in_specs=[
            pl.BlockSpec((_NPAIR // 16, _D), lambda i: (i, 0)),
            full((_D, 256)),
            full((1, 256)),
            full((256, 128)),
            full((1, 128)),
            full((128, _RCLS)),
            full((1, _RCLS)),
        ],
        out_specs=pl.BlockSpec((_NPAIR // 16, _RCLS), lambda i: (i, 0)),
        out_shape=jax.ShapeDtypeStruct((_NPAIR, _RCLS), f32),
    )(rel, W1, b1.reshape(1, 256), W2, b2.reshape(1, 128),
      W3, b3.reshape(1, _RCLS))
    return out.reshape(_B, _P, _RCLS)

# --- scband reference (transcript-rebuilt; emitter-appended) ---
"""Pipeline reference for scband-proxi-sampler-69526930588007 (READ-ONLY COPY).

The authoritative reference and input builder live on the scoring server;
editing this copy changes nothing except your own understanding.
"""

import jax, jax.numpy as jnp
import numpy as np

B = 64
NUM_OBJ = 128
P = 256
D = 512
RCLS = 51
N = NUM_OBJ + P


def setup_inputs(seed: int = 0) -> dict:
    key = jax.random.key(seed)
    ks = jax.random.split(key, 10)
    obj_feats = jax.random.normal(ks[0], (B, NUM_OBJ, D), dtype=jnp.float32)
    pairs = jax.random.randint(ks[1], (B, P, 2), 0, NUM_OBJ).astype(jnp.int64)
    W_fuse = jax.random.normal(ks[2], (2 * D, D), dtype=jnp.float32) * 0.02
    b_fuse = jnp.zeros((D,), dtype=jnp.float32)
    W_gcn = jax.random.normal(ks[3], (D, D), dtype=jnp.float32) * 0.02
    W1 = jax.random.normal(ks[4], (D, 256), dtype=jnp.float32) * 0.02
    b1 = jnp.zeros((256,), dtype=jnp.float32)
    W2 = jax.random.normal(ks[5], (256, 128), dtype=jnp.float32) * 0.02
    b2 = jnp.zeros((128,), dtype=jnp.float32)
    W3 = jax.random.normal(ks[6], (128, RCLS), dtype=jnp.float32) * 0.02
    b3 = jnp.zeros((RCLS,), dtype=jnp.float32)
    return {"obj_feats": obj_feats, "pairs": pairs, "W_fuse": W_fuse, "b_fuse": b_fuse,
            "W_gcn": W_gcn, "W1": W1, "b1": b1, "W2": W2, "b2": b2, "W3": W3, "b3": b3}


def reference(obj_feats, pairs, W_fuse, b_fuse, W_gcn, W1, b1, W2, b2, W3, b3):
    # eval-mode path of proxi_sampler with use_rel_node=True, pos_fuse=False
    p0 = pairs[..., 0]  # [B, P] subject index
    p1 = pairs[..., 1]  # [B, P] object index
    # init_rel_node: fuse subject/object features for each sampled pair
    subj = jnp.take_along_axis(obj_feats, p0[..., None], axis=1)  # [B, P, D]
    objf = jnp.take_along_axis(obj_feats, p1[..., None], axis=1)  # [B, P, D]
    init_rel = jnp.concatenate([subj, objf], axis=-1) @ W_fuse + b_fuse  # [B, P, D]
    # node features X: object nodes then relation nodes (scatter of rel feats into X)
    X = jnp.concatenate([obj_feats, init_rel], axis=1)  # [B, N, D]
    # adjacency per get_graph_gcn_with_rel: obj<->rel-node edges
    b_idx = jnp.broadcast_to(jnp.arange(B)[:, None], (B, P))
    rel_idx = jnp.broadcast_to(jnp.arange(P)[None, :] + NUM_OBJ, (B, P))
    A = jnp.zeros((B, N, N), dtype=jnp.float32)
    A = A.at[b_idx, p0, rel_idx].set(1.0)
    A = A.at[b_idx, rel_idx, p1].set(1.0)
    A = A.at[b_idx, p1, rel_idx].set(1.0)
    A = A.at[b_idx, rel_idx, p0].set(1.0)
    # simpleGCN: X_ = relu(A @ X @ W)
    Xg = jax.nn.relu(jnp.einsum('bij,bjd->bid', A, X) @ W_gcn)  # [B, N, D]
    # gather relation-node features + residual connection
    rel = Xg[:, NUM_OBJ:, :] + init_rel  # [B, P, D]
    # proxi_detector (dropout is identity at eval)
    h = jax.nn.relu(rel @ W1 + b1)
    h = jax.nn.relu(h @ W2 + b2)
    dist = h @ W3 + b3
    return jax.nn.softmax(dist, axis=-1)  # [B, P, RCLS]

if __name__ == "__main__":
    import jax
    _d = setup_inputs()
    print(jax.jit(kernel)(*tuple(_d.values())))

</pallas_src>

<mosaic_0001>
#map = affine_map<(d0, d1) -> (0, 0)>
#map1 = affine_map<(d0, d1) -> (0)>
module attributes {stable_mosaic.version = 14 : i64} {
  func.func @_sc_rel(%arg0: i32, %arg1: i32, %arg2: memref<8704x512xf32, #tpu.memory_space<hbm>>, %arg3: memref<8704x512xf32, #tpu.memory_space<hbm>>, %arg4: memref<8704x512xf32, #tpu.memory_space<hbm>>, %arg5: memref<16384xi32, #tpu.memory_space<hbm>>, %arg6: memref<16384xi32, #tpu.memory_space<hbm>>, %arg7: memref<16384xi32, #tpu.memory_space<hbm>>, %arg8: memref<512xf32, #tpu.memory_space<hbm>>, %arg9: memref<16384x512xf32, #tpu.memory_space<hbm>>, %arg10: memref<16xi32, #tpu.memory_space<vmem>>, %arg11: memref<16xi32, #tpu.memory_space<vmem>>, %arg12: memref<16xi32, #tpu.memory_space<vmem>>, %arg13: memref<512xf32, #tpu.memory_space<vmem>>, %arg14: memref<16x512xf32, #tpu.memory_space<vmem>>, %arg15: memref<16x512xf32, #tpu.memory_space<vmem>>, %arg16: memref<16x512xf32, #tpu.memory_space<vmem>>, %arg17: memref<16x512xf32, #tpu.memory_space<vmem>>, %arg18: memref<16x512xf32, #tpu.memory_space<vmem>>, %arg19: memref<!tpu.dma_semaphore, #tpu.memory_space<semaphore_mem>>) attributes {dimension_semantics = [#tpu.dimension_semantics<core_parallel>, #tpu.dimension_semantics<subcore_parallel>], iteration_bounds = array<i64: 2, 16>, scalar_prefetch = 0 : i64, scratch_operands = 10 : i64, tpu.core_type = #tpu.core_type<sc_vector_subcore>, window_params = [{transform_indices = #map}, {transform_indices = #map}, {transform_indices = #map}, {transform_indices = #map1}, {transform_indices = #map1}, {transform_indices = #map1}, {transform_indices = #map1}, {transform_indices = #map}]} {
    %mul3A = arith.constant 2 : i32
    %mul3A_0 = arith.muli %arg1, %mul3A : i32
    %add3A = arith.addi %mul3A_0, %arg0 : i32
    %mul3A_1 = arith.constant 512 : i32
    %mul3A_2 = arith.muli %add3A, %mul3A_1 : i32
    "tpu.region"() ({
      %run_scoped3A = tpu.sem_alloc : memref<!tpu.dma_semaphore, #tpu.memory_space<semaphore_mem>>
      tpu.enqueue_dma source(%arg8 : memref<512xf32, #tpu.memory_space<hbm>>) target(%arg13 : memref<512xf32, #tpu.memory_space<vmem>>) target_semaphore(%run_scoped3A : memref<!tpu.dma_semaphore, #tpu.memory_space<semaphore_mem>>)
      tpu.wait_dma2 semaphore(%run_scoped3A : memref<!tpu.dma_semaphore, #tpu.memory_space<semaphore_mem>>) src(%arg8 : memref<512xf32, #tpu.memory_space<hbm>>) dst(%arg13 : memref<512xf32, #tpu.memory_space<vmem>>)
      tpu.yield
    }) : () -> ()
    %scan3A = arith.constant 0 : i32
    %scan3A_3 = arith.constant 0 : i32
    %scan3A_4 = arith.constant 32 : i32
    %scan3A_5 = arith.addi %scan3A_3, %scan3A_4 : i32
    %scan3A_6 = arith.constant 1 : i32
    %scan3A_7 = scf.for %scan3A_9 = %scan3A_3 to %scan3A_5 step %scan3A_6 iter_args(%scan3A_10 = %scan3A) -> (i32)  : i32 {
      %mul3A_11 = arith.constant 16 : i32
      %mul3A_12 = arith.muli %scan3A_9, %mul3A_11 : i32
      %add3A_13 = arith.addi %mul3A_2, %mul3A_12 : i32
      "tpu.region"() ({
        %run_scoped3A = tpu.sem_alloc : memref<!tpu.dma_semaphore, #tpu.memory_space<semaphore_mem>>
        %dma_start3A_44 = tpu.memref_slice %arg5[%add3A_13] : memref<16384xi32, #tpu.memory_space<hbm>> -> memref<16xi32, #tpu.memory_space<hbm>>
        %dma_start3A_45 = tpu.memref_slice %arg5[%add3A_13] : memref<16384xi32, #tpu.memory_space<hbm>> -> memref<16xi32, #tpu.memory_space<hbm>>
        tpu.enqueue_dma source(%dma_start3A_45 : memref<16xi32, #tpu.memory_space<hbm>>) target(%arg10 : memref<16xi32, #tpu.memory_space<vmem>>) target_semaphore(%run_scoped3A : memref<!tpu.dma_semaphore, #tpu.memory_space<semaphore_mem>>)
        %dma_wait3A_46 = tpu.memref_slice %arg5[%add3A_13] : memref<16384xi32, #tpu.memory_space<hbm>> -> memref<16xi32, #tpu.memory_space<hbm>>
        %dma_wait3A_47 = tpu.memref_slice %arg5[%add3A_13] : memref<16384xi32, #tpu.memory_space<hbm>> -> memref<16xi32, #tpu.memory_space<hbm>>
        tpu.wait_dma2 semaphore(%run_scoped3A : memref<!tpu.dma_semaphore, #tpu.memory_space<semaphore_mem>>) src(%dma_wait3A_47 : memref<16xi32, #tpu.memory_space<hbm>>) dst(%arg10 : memref<16xi32, #tpu.memory_space<vmem>>)
        tpu.yield
      }) : () -> ()
      "tpu.region"() ({
        %run_scoped3A = tpu.sem_alloc : memref<!tpu.dma_semaphore, #tpu.memory_space<semaphore_mem>>
        %dma_start3A_44 = tpu.memref_slice %arg6[%add3A_13] : memref<16384xi32, #tpu.memory_space<hbm>> -> memref<16xi32, #tpu.memory_space<hbm>>
        %dma_start3A_45 = tpu.memref_slice %arg6[%add3A_13] : memref<16384xi32, #tpu.memory_space<hbm>> -> memref<16xi32, #tpu.memory_space<hbm>>
        tpu.enqueue_dma source(%dma_start3A_45 : memref<16xi32, #tpu.memory_space<hbm>>) target(%arg11 : memref<16xi32, #tpu.memory_space<vmem>>) target_semaphore(%run_scoped3A : memref<!tpu.dma_semaphore, #tpu.memory_space<semaphore_mem>>)
        %dma_wait3A_46 = tpu.memref_slice %arg6[%add3A_13] : memref<16384xi32, #tpu.memory_space<hbm>> -> memref<16xi32, #tpu.memory_space<hbm>>
        %dma_wait3A_47 = tpu.memref_slice %arg6[%add3A_13] : memref<16384xi32, #tpu.memory_space<hbm>> -> memref<16xi32, #tpu.memory_space<hbm>>
        tpu.wait_dma2 semaphore(%run_scoped3A : memref<!tpu.dma_semaphore, #tpu.memory_space<semaphore_mem>>) src(%dma_wait3A_47 : memref<16xi32, #tpu.memory_space<hbm>>) dst(%arg11 : memref<16xi32, #tpu.memory_space<vmem>>)
        tpu.yield
      }) : () -> ()
      "tpu.region"() ({
        %run_scoped3A = tpu.sem_alloc : memref<!tpu.dma_semaphore, #tpu.memory_space<semaphore_mem>>
        %dma_start3A_44 = tpu.memref_slice %arg7[%add3A_13] : memref<16384xi32, #tpu.memory_space<hbm>> -> memref<16xi32, #tpu.memory_space<hbm>>
        %dma_start3A_45 = tpu.memref_slice %arg7[%add3A_13] : memref<16384xi32, #tpu.memory_space<hbm>> -> memref<16xi32, #tpu.memory_space<hbm>>
        tpu.enqueue_dma source(%dma_start3A_45 : memref<16xi32, #tpu.memory_space<hbm>>) target(%arg12 : memref<16xi32, #tpu.memory_space<vmem>>) target_semaphore(%run_scoped3A : memref<!tpu.dma_semaphore, #tpu.memory_space<semaphore_mem>>)
        %dma_wait3A_46 = tpu.memref_slice %arg7[%add3A_13] : memref<16384xi32, #tpu.memory_space<hbm>> -> memref<16xi32, #tpu.memory_space<hbm>>
        %dma_wait3A_47 = tpu.memref_slice %arg7[%add3A_13] : memref<16384xi32, #tpu.memory_space<hbm>> -> memref<16xi32, #tpu.memory_space<hbm>>
        tpu.wait_dma2 semaphore(%run_scoped3A : memref<!tpu.dma_semaphore, #tpu.memory_space<semaphore_mem>>) src(%dma_wait3A_47 : memref<16xi32, #tpu.memory_space<hbm>>) dst(%arg12 : memref<16xi32, #tpu.memory_space<vmem>>)
        tpu.yield
      }) : () -> ()
      %dma_start3A = arith.constant 0 : i32
      %dma_start3A_14 = arith.constant 0 : i32
      %dma_start3A_15 = tpu.memref_slice %arg2[%dma_start3A, %dma_start3A_14] : memref<8704x512xf32, #tpu.memory_space<hbm>> -> memref<8704x512xf32, #tpu.memory_space<hbm>>
      tpu.enqueue_indirect_dma source(%dma_start3A_15 : memref<8704x512xf32, #tpu.memory_space<hbm>>) target(%arg14 : memref<16x512xf32, #tpu.memory_space<vmem>>) offsets(%arg10 : memref<16xi32, #tpu.memory_space<vmem>>) semaphore(%arg19 : memref<!tpu.dma_semaphore, #tpu.memory_space<semaphore_mem>>)
      %dma_wait3A = arith.constant 0 : i32
      %dma_wait3A_16 = arith.constant 0 : i32
      %dma_wait3A_17 = tpu.memref_slice %arg2[%dma_wait3A, %dma_wait3A_16] : memref<8704x512xf32, #tpu.memory_space<hbm>> -> memref<8704x512xf32, #tpu.memory_space<hbm>>
      tpu.wait_indirect_dma semaphore(%arg19 : memref<!tpu.dma_semaphore, #tpu.memory_space<semaphore_mem>>) src(%dma_wait3A_17 : memref<8704x512xf32, #tpu.memory_space<hbm>>) dst(%arg14 : memref<16x512xf32, #tpu.memory_space<vmem>>)
      %dma_start3A_18 = arith.constant 0 : i32
      %dma_start3A_19 = arith.constant 0 : i32
      %dma_start3A_20 = tpu.memref_slice %arg3[%dma_start3A_18, %dma_start3A_19] : memref<8704x512xf32, #tpu.memory_space<hbm>> -> memref<8704x512xf32, #tpu.memory_space<hbm>>
      tpu.enqueue_indirect_dma source(%dma_start3A_20 : memref<8704x512xf32, #tpu.memory_space<hbm>>) target(%arg15 : memref<16x512xf32, #tpu.memory_space<vmem>>) offsets(%arg11 : memref<16xi32, #tpu.memory_space<vmem>>) semaphore(%arg19 : memref<!tpu.dma_semaphore, #tpu.memory_space<semaphore_mem>>)
      %dma_wait3A_21 = arith.constant 0 : i32
      %dma_wait3A_22 = arith.constant 0 : i32
      %dma_wait3A_23 = tpu.memref_slice %arg3[%dma_wait3A_21, %dma_wait3A_22] : memref<8704x512xf32, #tpu.memory_space<hbm>> -> memref<8704x512xf32, #tpu.memory_space<hbm>>
      tpu.wait_indirect_dma semaphore(%arg19 : memref<!tpu.dma_semaphore, #tpu.memory_space<semaphore_mem>>) src(%dma_wait3A_23 : memref<8704x512xf32, #tpu.memory_space<hbm>>) dst(%arg15 : memref<16x512xf32, #tpu.memory_space<vmem>>)
      %dma_start3A_24 = arith.constant 0 : i32
      %dma_start3A_25 = arith.constant 0 : i32
      %dma_start3A_26 = tpu.memref_slice %arg4[%dma_start3A_24, %dma_start3A_25] : memref<8704x512xf32, #tpu.memory_space<hbm>> -> memref<8704x512xf32, #tpu.memory_space<hbm>>
      tpu.enqueue_indirect_dma source(%dma_start3A_26 : memref<8704x512xf32, #tpu.memory_space<hbm>>) target(%arg16 : memref<16x512xf32, #tpu.memory_space<vmem>>) offsets(%arg10 : memref<16xi32, #tpu.memory_space<vmem>>) semaphore(%arg19 : memref<!tpu.dma_semaphore, #tpu.memory_space<semaphore_mem>>)
      %dma_wait3A_27 = arith.constant 0 : i32
      %dma_wait3A_28 = arith.constant 0 : i32
      %dma_wait3A_29 = tpu.memref_slice %arg4[%dma_wait3A_27, %dma_wait3A_28] : memref<8704x512xf32, #tpu.memory_space<hbm>> -> memref<8704x512xf32, #tpu.memory_space<hbm>>
      tpu.wait_indirect_dma semaphore(%arg19 : memref<!tpu.dma_semaphore, #tpu.memory_space<semaphore_mem>>) src(%dma_wait3A_29 : memref<8704x512xf32, #tpu.memory_space<hbm>>) dst(%arg16 : memref<16x512xf32, #tpu.memory_space<vmem>>)
      %dma_start3A_30 = arith.constant 0 : i32
      %dma_start3A_31 = arith.constant 0 : i32
      %dma_start3A_32 = tpu.memref_slice %arg4[%dma_start3A_30, %dma_start3A_31] : memref<8704x512xf32, #tpu.memory_space<hbm>> -> memref<8704x512xf32, #tpu.memory_space<hbm>>
      tpu.enqueue_indirect_dma source(%dma_start3A_32 : memref<8704x512xf32, #tpu.memory_space<hbm>>) target(%arg17 : memref<16x512xf32, #tpu.memory_space<vmem>>) offsets(%arg12 : memref<16xi32, #tpu.memory_space<vmem>>) semaphore(%arg19 : memref<!tpu.dma_semaphore, #tpu.memory_space<semaphore_mem>>)
      %dma_wait3A_33 = arith.constant 0 : i32
      %dma_wait3A_34 = arith.constant 0 : i32
      %dma_wait3A_35 = tpu.memref_slice %arg4[%dma_wait3A_33, %dma_wait3A_34] : memref<8704x512xf32, #tpu.memory_space<hbm>> -> memref<8704x512xf32, #tpu.memory_space<hbm>>
      tpu.wait_indirect_dma semaphore(%arg19 : memref<!tpu.dma_semaphore, #tpu.memory_space<semaphore_mem>>) src(%dma_wait3A_35 : memref<8704x512xf32, #tpu.memory_space<hbm>>) dst(%arg17 : memref<16x512xf32, #tpu.memory_space<vmem>>)
      %scan3A_36 = arith.constant 0 : i32
      %scan3A_37 = arith.constant 0 : i32
      %scan3A_38 = arith.constant 16 : i32
      %scan3A_39 = arith.addi %scan3A_37, %scan3A_38 : i32
      %scan3A_40 = arith.constant 1 : i32
      %scan3A_41 = scf.for %scan3A_44 = %scan3A_37 to %scan3A_39 step %scan3A_40 iter_args(%scan3A_45 = %scan3A_36) -> (i32)  : i32 {
        %scan3A_46 = arith.constant 0 : i32
        %scan3A_47 = arith.constant 0 : i32
        %scan3A_48 = arith.constant 32 : i32
        %scan3A_49 = arith.addi %scan3A_47, %scan3A_48 : i32
        %scan3A_50 = arith.constant 1 : i32
        %scan3A_51 = scf.for %scan3A_54 = %scan3A_47 to %scan3A_49 step %scan3A_50 iter_args(%scan3A_55 = %scan3A_46) -> (i32)  : i32 {
          %mul3A_56 = arith.constant 16 : i32
          %mul3A_57 = arith.muli %scan3A_54, %mul3A_56 : i32
          %get3A = arith.index_cast %scan3A_44 : i32 to index
          %get3A_58 = arith.index_cast %mul3A_57 : i32 to index
          %get3A_59 = tpu.vector_load %arg16[%get3A, %get3A_58] {strides = array<i32>} : memref<16x512xf32, #tpu.memory_space<vmem>>, vector<1x16xf32>,
          %get3A_60 = vector.shape_cast %get3A_59 : vector<1x16xf32> to vector<16xf32>
          %get3A_61 = arith.index_cast %scan3A_44 : i32 to index
          %get3A_62 = arith.index_cast %mul3A_57 : i32 to index
          %get3A_63 = tpu.vector_load %arg17[%get3A_61, %get3A_62] {strides = array<i32>} : memref<16x512xf32, #tpu.memory_space<vmem>>, vector<1x16xf32>,
          %get3A_64 = vector.shape_cast %get3A_63 : vector<1x16xf32> to vector<16xf32>
          %add3A_65 = arith.addf %get3A_60, %get3A_64 : vector<16xf32>
          %max3A = arith.constant 0.000000e+00 : f32
          %max3A_66 = vector.broadcast %max3A : f32 to vector<16xf32>
          %max3A_67 = arith.maximumf %add3A_65, %max3A_66 : vector<16xf32>
          %get3A_68 = arith.index_cast %scan3A_44 : i32 to index
          %get3A_69 = arith.index_cast %mul3A_57 : i32 to index
          %get3A_70 = tpu.vector_load %arg14[%get3A_68, %get3A_69] {strides = array<i32>} : memref<16x512xf32, #tpu.memory_space<vmem>>, vector<1x16xf32>,
          %get3A_71 = vector.shape_cast %get3A_70 : vector<1x16xf32> to vector<16xf32>
          %add3A_72 = arith.addf %max3A_67, %get3A_71 : vector<16xf32>
          %get3A_73 = arith.index_cast %scan3A_44 : i32 to index
          %get3A_74 = arith.index_cast %mul3A_57 : i32 to index
          %get3A_75 = tpu.vector_load %arg15[%get3A_73, %get3A_74] {strides = array<i32>} : memref<16x512xf32, #tpu.memory_space<vmem>>, vector<1x16xf32>,
          %get3A_76 = vector.shape_cast %get3A_75 : vector<1x16xf32> to vector<16xf32>
          %add3A_77 = arith.addf %add3A_72, %get3A_76 : vector<16xf32>
          %get3A_78 = arith.index_cast %mul3A_57 : i32 to index
          %get3A_79 = tpu.vector_load %arg13[%get3A_78] {strides = array<i32>} : memref<512xf32, #tpu.memory_space<vmem>>, vector<16xf32>,
          %get3A_80 = vector.shape_cast %get3A_79 : vector<16xf32> to vector<16xf32>
          %add3A_81 = arith.addf %add3A_77, %get3A_80 : vector<16xf32>
          %swap3A = arith.index_cast %scan3A_44 : i32 to index
          %swap3A_82 = arith.index_cast %mul3A_57 : i32 to index
          %swap3A_83 = tpu.vector_load %arg18[%swap3A, %swap3A_82] {strides = array<i32>} : memref<16x512xf32, #tpu.memory_space<vmem>>, vector<1x16xf32>,
          %swap3A_84 = vector.shape_cast %swap3A_83 : vector<1x16xf32> to vector<16xf32>
          %swap3A_85 = vector.shape_cast %add3A_81 : vector<16xf32> to vector<1x16xf32>
          tpu.vector_store %arg18[%swap3A, %swap3A_82], %swap3A_85 {strides = array<i32>} : memref<16x512xf32, #tpu.memory_space<vmem>>, vector<1x16xf32>,
          %scan3A_86 = arith.constant 0 : i32
          scf.yield %scan3A_86 : i32
        }
        %scan3A_52 = arith.constant 32 : i32
        %scan3A_53 = arith.constant 0 : i32
        scf.yield %scan3A_53 : i32
      }
      %scan3A_42 = arith.constant 16 : i32
      "tpu.region"() ({
        %run_scoped3A = tpu.sem_alloc : memref<!tpu.dma_semaphore, #tpu.memory_space<semaphore_mem>>
        %dma_start3A_44 = arith.constant 0 : i32
        %dma_start3A_45 = tpu.memref_slice %arg9[%add3A_13, %dma_start3A_44] : memref<16384x512xf32, #tpu.memory_space<hbm>> -> memref<16x512xf32, #tpu.memory_space<hbm>>
        %dma_start3A_46 = arith.constant 0 : i32
        %dma_start3A_47 = tpu.memref_slice %arg9[%add3A_13, %dma_start3A_46] : memref<16384x512xf32, #tpu.memory_space<hbm>> -> memref<16x512xf32, #tpu.memory_space<hbm>>
        tpu.enqueue_dma source(%arg18 : memref<16x512xf32, #tpu.memory_space<vmem>>) target(%dma_start3A_47 : memref<16x512xf32, #tpu.memory_space<hbm>>) target_semaphore(%run_scoped3A : memref<!tpu.dma_semaphore, #tpu.memory_space<semaphore_mem>>)
        %dma_wait3A_48 = arith.constant 0 : i32
        %dma_wait3A_49 = tpu.memref_slice %arg9[%add3A_13, %dma_wait3A_48] : memref<16384x512xf32, #tpu.memory_space<hbm>> -> memref<16x512xf32, #tpu.memory_space<hbm>>
        %dma_wait3A_50 = arith.constant 0 : i32
        %dma_wait3A_51 = tpu.memref_slice %arg9[%add3A_13, %dma_wait3A_50] : memref<16384x512xf32, #tpu.memory_space<hbm>> -> memref<16x512xf32, #tpu.memory_space<hbm>>
        tpu.wait_dma2 semaphore(%run_scoped3A : memref<!tpu.dma_semaphore, #tpu.memory_space<semaphore_mem>>) src(%arg18 : memref<16x512xf32, #tpu.memory_space<vmem>>) dst(%dma_wait3A_51 : memref<16x512xf32, #tpu.memory_space<hbm>>)
        tpu.yield
      }) : () -> ()
      %scan3A_43 = arith.constant 0 : i32
      scf.yield %scan3A_43 : i32
    }
    %scan3A_8 = arith.constant 32 : i32
    return
  }
}

module attributes {stable_mosaic.version = 14 : i64} {
  func.func @_stage1(%arg0: i32, %arg1: memref<1088x512xf32, #tpu.memory_space<vmem>>, %arg2: memref<1024x512xf32, #tpu.memory_space<vmem>>, %arg3: memref<512x512xf32, #tpu.memory_space<vmem>>, %arg4: memref<1088x512xf32, #tpu.memory_space<vmem>>, %arg5: memref<1088x512xf32, #tpu.memory_space<vmem>>, %arg6: memref<1088x512xf32, #tpu.memory_space<vmem>>) attributes {dimension_semantics = [#tpu.dimension_semantics<arbitrary>], iteration_bounds = array<i64: 8>, scalar_prefetch = 0 : i64, scratch_operands = 0 : i64, tpu.core_type = #tpu.core_type<tc>, window_params = [{transform_indices = @transform_0, window_bounds = array<i64: 1088, 512>}, {pipeline_mode = #tpu.pipeline_mode<synchronous>, transform_indices = @transform_1, window_bounds = array<i64: 1024, 512>}, {pipeline_mode = #tpu.pipeline_mode<synchronous>, transform_indices = @transform_2, window_bounds = array<i64: 512, 512>}, {transform_indices = @transform_3, window_bounds = array<i64: 1088, 512>}, {transform_indices = @transform_4, window_bounds = array<i64: 1088, 512>}, {transform_indices = @transform_5, window_bounds = array<i64: 1088, 512>}]} {
    %get3A = arith.constant 0 : index
    %get3A_0 = arith.constant 0 : index
    %get3A_1 = vector.load %arg1[%get3A, %get3A_0] : memref<1088x512xf32, #tpu.memory_space<vmem>>, vector<1088x512xf32>
    %get3A_2 = arith.constant 0 : index
    %get3A_3 = arith.constant 0 : index
    %get3A_4 = vector.load %arg2[%get3A_2, %get3A_3] : memref<1024x512xf32, #tpu.memory_space<vmem>>, vector<512x512xf32>
    %dot_general3A = arith.constant dense<0.000000e+00> : vector<1088x512xf32>
    %dot_general3A_5 = tpu.matmul %get3A_1, %get3A_4, %dot_general3A {dimension_numbers = #tpu.dot_dimension_numbers<[1], [0], [0], [1], [0, 0, 1, 1], [], []>, transpose_lhs_hint = false} : vector<1088x512xf32>, vector<512x512xf32>, vector<1088x512xf32> -> vector<1088x512xf32>
    %swap3A = arith.constant 0 : index
    %swap3A_6 = arith.constant 0 : index
    %swap3A_7 = vector.load %arg4[%swap3A, %swap3A_6] : memref<1088x512xf32, #tpu.memory_space<vmem>>, vector<1088x512xf32>
    tpu.vector_store %arg4[%swap3A, %swap3A_6], %dot_general3A_5 {strides = array<i32>} : memref<1088x512xf32, #tpu.memory_space<vmem>>, vector<1088x512xf32>,
    %get3A_8 = arith.constant 512 : index
    %get3A_9 = arith.constant 0 : index
    %get3A_10 = vector.load %arg2[%get3A_8, %get3A_9] : memref<1024x512xf32, #tpu.memory_space<vmem>>, vector<512x512xf32>
    %dot_general3A_11 = arith.constant dense<0.000000e+00> : vector<1088x512xf32>
    %dot_general3A_12 = tpu.matmul %get3A_1, %get3A_10, %dot_general3A_11 {dimension_numbers = #tpu.dot_dimension_numbers<[1], [0], [0], [1], [0, 0, 1, 1], [], []>, transpose_lhs_hint = false} : vector<1088x512xf32>, vector<512x512xf32>, vector<1088x512xf32> -> vector<1088x512xf32>
    %swap3A_13 = arith.constant 0 : index
    %swap3A_14 = arith.constant 0 : index
    %swap3A_15 = vector.load %arg5[%swap3A_13, %swap3A_14] : memref<1088x512xf32, #tpu.memory_space<vmem>>, vector<1088x512xf32>
    tpu.vector_store %arg5[%swap3A_13, %swap3A_14], %dot_general3A_12 {strides = array<i32>} : memref<1088x512xf32, #tpu.memory_space<vmem>>, vector<1088x512xf32>,
    %get3A_16 = arith.constant 0 : index
    %get3A_17 = arith.constant 0 : index
    %get3A_18 = vector.load %arg3[%get3A_16, %get3A_17] : memref<512x512xf32, #tpu.memory_space<vmem>>, vector<512x512xf32>
    %dot_general3A_19 = arith.constant dense<0.000000e+00> : vector<1088x512xf32>
    %dot_general3A_20 = tpu.matmul %get3A_1, %get3A_18, %dot_general3A_19 {dimension_numbers = #tpu.dot_dimension_numbers<[1], [0], [0], [1], [0, 0, 1, 1], [], []>, transpose_lhs_hint = false} : vector<1088x512xf32>, vector<512x512xf32>, vector<1088x512xf32> -> vector<1088x512xf32>
    %swap3A_21 = arith.constant 0 : index
    %swap3A_22 = arith.constant 0 : index
    %swap3A_23 = vector.load %arg6[%swap3A_21, %swap3A_22] : memref<1088x512xf32, #tpu.memory_space<vmem>>, vector<1088x512xf32>
    tpu.vector_store %arg6[%swap3A_21, %swap3A_22], %dot_general3A_20 {strides = array<i32>} : memref<1088x512xf32, #tpu.memory_space<vmem>>, vector<1088x512xf32>,
    return
  }
  func.func @transform_0(%arg0: i32) -> (i32, i32) {
    %c0_i32 = arith.constant 0 : i32
    %c0_i32_0 = arith.constant 0 : i32
    return %arg0, %c0_i32 : i32, i32
  }
  func.func @transform_1(%arg0: i32) -> (i32, i32) {
    %c0_i32 = arith.constant 0 : i32
    %c0_i32_0 = arith.constant 0 : i32
    %c0_i32_1 = arith.constant 0 : i32
    return %c0_i32, %c0_i32_0 : i32, i32
  }
  func.func @transform_2(%arg0: i32) -> (i32, i32) {
    %c0_i32 = arith.constant 0 : i32
    %c0_i32_0 = arith.constant 0 : i32
    %c0_i32_1 = arith.constant 0 : i32
    return %c0_i32, %c0_i32_0 : i32, i32
  }
  func.func @transform_3(%arg0: i32) -> (i32, i32) {
    %c0_i32 = arith.constant 0 : i32
    %c0_i32_0 = arith.constant 0 : i32
    return %arg0, %c0_i32 : i32, i32
  }
  func.func @transform_4(%arg0: i32) -> (i32, i32) {
    %c0_i32 = arith.constant 0 : i32
    %c0_i32_0 = arith.constant 0 : i32
    return %arg0, %c0_i32 : i32, i32
  }
  func.func @transform_5(%arg0: i32) -> (i32, i32) {
    %c0_i32 = arith.constant 0 : i32
    %c0_i32_0 = arith.constant 0 : i32
    return %arg0, %c0_i32 : i32, i32
  }
}

module attributes {stable_mosaic.version = 14 : i64} {
  func.func @_stage3(%arg0: i32, %arg1: memref<1024x512xf32, #tpu.memory_space<vmem>>, %arg2: memref<512x256xf32, #tpu.memory_space<vmem>>, %arg3: memref<1x256xf32, #tpu.memory_space<vmem>>, %arg4: memref<256x128xf32, #tpu.memory_space<vmem>>, %arg5: memref<1x128xf32, #tpu.memory_space<vmem>>, %arg6: memref<128x51xf32, #tpu.memory_space<vmem>>, %arg7: memref<1x51xf32, #tpu.memory_space<vmem>>, %arg8: memref<1024x51xf32, #tpu.memory_space<vmem>>) attributes {dimension_semantics = [#tpu.dimension_semantics<arbitrary>], iteration_bounds = array<i64: 16>, scalar_prefetch = 0 : i64, scratch_operands = 0 : i64, tpu.core_type = #tpu.core_type<tc>, window_params = [{transform_indices = @transform_0, window_bounds = array<i64: 1024, 512>}, {pipeline_mode = #tpu.pipeline_mode<synchronous>, transform_indices = @transform_1, window_bounds = array<i64: 512, 256>}, {pipeline_mode = #tpu.pipeline_mode<synchronous>, transform_indices = @transform_2, window_bounds = array<i64: 1, 256>}, {pipeline_mode = #tpu.pipeline_mode<synchronous>, transform_indices = @transform_3, window_bounds = array<i64: 256, 128>}, {pipeline_mode = #tpu.pipeline_mode<synchronous>, transform_indices = @transform_4, window_bounds = array<i64: 1, 128>}, {pipeline_mode = #tpu.pipeline_mode<synchronous>, transform_indices = @transform_5, window_bounds = array<i64: 128, 51>}, {pipeline_mode = #tpu.pipeline_mode<synchronous>, transform_indices = @transform_6, window_bounds = array<i64: 1, 51>}, {transform_indices = @transform_7, window_bounds = array<i64: 1024, 51>}]} {
    %get3A = arith.constant 0 : index
    %get3A_0 = arith.constant 0 : index
    %get3A_1 = vector.load %arg1[%get3A, %get3A_0] : memref<1024x512xf32, #tpu.memory_space<vmem>>, vector<1024x512xf32>
    %get3A_2 = arith.constant 0 : index
    %get3A_3 = arith.constant 0 : index
    %get3A_4 = vector.load %arg2[%get3A_2, %get3A_3] : memref<512x256xf32, #tpu.memory_space<vmem>>, vector<512x256xf32>
    %dot_general3A = arith.constant dense<0.000000e+00> : vector<1024x256xf32>
    %dot_general3A_5 = tpu.matmul %get3A_1, %get3A_4, %dot_general3A {dimension_numbers = #tpu.dot_dimension_numbers<[1], [0], [0], [1], [0, 0, 1, 1], [], []>, transpose_lhs_hint = false} : vector<1024x512xf32>, vector<512x256xf32>, vector<1024x256xf32> -> vector<1024x256xf32>
    %get3A_6 = arith.constant 0 : index
    %get3A_7 = arith.constant 0 : index
    %get3A_8 = vector.load %arg3[%get3A_6, %get3A_7] : memref<1x256xf32, #tpu.memory_space<vmem>>, vector<1x256xf32>
    %add3A = vector.broadcast %get3A_8 : vector<1x256xf32> to vector<1024x256xf32>
    %add3A_9 = arith.addf %dot_general3A_5, %add3A : vector<1024x256xf32>
    %max3A = arith.constant 0.000000e+00 : f32
    %max3A_10 = vector.broadcast %max3A : f32 to vector<1024x256xf32>
    %max3A_11 = arith.maximumf %add3A_9, %max3A_10 : vector<1024x256xf32>
    %get3A_12 = arith.constant 0 : index
    %get3A_13 = arith.constant 0 : index
    %get3A_14 = vector.load %arg4[%get3A_12, %get3A_13] : memref<256x128xf32, #tpu.memory_space<vmem>>, vector<256x128xf32>
    %dot_general3A_15 = arith.constant dense<0.000000e+00> : vector<1024x128xf32>
    %dot_general3A_16 = tpu.matmul %max3A_11, %get3A_14, %dot_general3A_15 {dimension_numbers = #tpu.dot_dimension_numbers<[1], [0], [0], [1], [0, 0, 1, 1], [], []>, transpose_lhs_hint = false} : vector<1024x256xf32>, vector<256x128xf32>, vector<1024x128xf32> -> vector<1024x128xf32>
    %get3A_17 = arith.constant 0 : index
    %get3A_18 = arith.constant 0 : index
    %get3A_19 = vector.load %arg5[%get3A_17, %get3A_18] : memref<1x128xf32, #tpu.memory_space<vmem>>, vector<1x128xf32>
    %add3A_20 = vector.broadcast %get3A_19 : vector<1x128xf32> to vector<1024x128xf32>
    %add3A_21 = arith.addf %dot_general3A_16, %add3A_20 : vector<1024x128xf32>
    %max3A_22 = arith.constant 0.000000e+00 : f32
    %max3A_23 = vector.broadcast %max3A_22 : f32 to vector<1024x128xf32>
    %max3A_24 = arith.maximumf %add3A_21, %max3A_23 : vector<1024x128xf32>
    %get3A_25 = arith.constant 0 : index
    %get3A_26 = arith.constant 0 : index
    %get3A_27 = vector.load %arg6[%get3A_25, %get3A_26] : memref<128x51xf32, #tpu.memory_space<vmem>>, vector<128x51xf32>
    %dot_general3A_28 = arith.constant dense<0.000000e+00> : vector<1024x51xf32>
    %dot_general3A_29 = tpu.matmul %max3A_24, %get3A_27, %dot_general3A_28 {dimension_numbers = #tpu.dot_dimension_numbers<[1], [0], [0], [1], [0, 0, 1, 1], [], []>, transpose_lhs_hint = false} : vector<1024x128xf32>, vector<128x51xf32>, vector<1024x51xf32> -> vector<1024x51xf32>
    %get3A_30 = arith.constant 0 : index
    %get3A_31 = arith.constant 0 : index
    %get3A_32 = vector.load %arg7[%get3A_30, %get3A_31] : memref<1x51xf32, #tpu.memory_space<vmem>>, vector<1x51xf32>
    %add3A_33 = vector.broadcast %get3A_32 : vector<1x51xf32> to vector<1024x51xf32>
    %add3A_34 = arith.addf %dot_general3A_29, %add3A_33 : vector<1024x51xf32>
    %exp3A = math.exp %add3A_34 : vector<1024x51xf32>
    %reduce_sum3A = arith.constant dense<0.000000e+00> : vector<1024xf32>
    %reduce_sum3A_35 = vector.multi_reduction <add>, %exp3A, %reduce_sum3A [1] : vector<1024x51xf32> to vector<1024xf32>
    %broadcast_in_dim3A = vector.shape_cast %reduce_sum3A_35 : vector<1024xf32> to vector<1024x1xf32>
    %div3A = arith.constant 1.000000e+00 : f32
    %div3A_36 = vector.broadcast %div3A : f32 to vector<1024x1xf32>
    %div3A_37 = arith.divf %div3A_36, %broadcast_in_dim3A : vector<1024x1xf32>
    %mul3A = vector.broadcast %div3A_37 : vector<1024x1xf32> to vector<1024x51xf32>
    %mul3A_38 = arith.mulf %exp3A, %mul3A : vector<1024x51xf32>
    %swap3A = arith.constant 0 : index
    %swap3A_39 = arith.constant 0 : index
    %swap3A_40 = vector.load %arg8[%swap3A, %swap3A_39] : memref<1024x51xf32, #tpu.memory_space<vmem>>, vector<1024x51xf32>
    tpu.vector_store %arg8[%swap3A, %swap3A_39], %mul3A_38 {strides = array<i32>} : memref<1024x51xf32, #tpu.memory_space<vmem>>, vector<1024x51xf32>,
    return
  }
  func.func @transform_0(%arg0: i32) -> (i32, i32) {
    %c0_i32 = arith.constant 0 : i32
    %c0_i32_0 = arith.constant 0 : i32
    return %arg0, %c0_i32 : i32, i32
  }
  func.func @transform_1(%arg0: i32) -> (i32, i32) {
    %c0_i32 = arith.constant 0 : i32
    %c0_i32_0 = arith.constant 0 : i32
    %c0_i32_1 = arith.constant 0 : i32
    return %c0_i32, %c0_i32_0 : i32, i32
  }
  func.func @transform_2(%arg0: i32) -> (i32, i32) {
    %c0_i32 = arith.constant 0 : i32
    %c0_i32_0 = arith.constant 0 : i32
    %c0_i32_1 = arith.constant 0 : i32
    return %c0_i32, %c0_i32_0 : i32, i32
  }
  func.func @transform_3(%arg0: i32) -> (i32, i32) {
    %c0_i32 = arith.constant 0 : i32
    %c0_i32_0 = arith.constant 0 : i32
    %c0_i32_1 = arith.constant 0 : i32
    return %c0_i32, %c0_i32_0 : i32, i32
  }
  func.func @transform_4(%arg0: i32) -> (i32, i32) {
    %c0_i32 = arith.constant 0 : i32
    %c0_i32_0 = arith.constant 0 : i32
    %c0_i32_1 = arith.constant 0 : i32
    return %c0_i32, %c0_i32_0 : i32, i32
  }
  func.func @transform_5(%arg0: i32) -> (i32, i32) {
    %c0_i32 = arith.constant 0 : i32
    %c0_i32_0 = arith.constant 0 : i32
    %c0_i32_1 = arith.constant 0 : i32
    return %c0_i32, %c0_i32_0 : i32, i32
  }
  func.func @transform_6(%arg0: i32) -> (i32, i32) {
    %c0_i32 = arith.constant 0 : i32
    %c0_i32_0 = arith.constant 0 : i32
    %c0_i32_1 = arith.constant 0 : i32
    return %c0_i32, %c0_i32_0 : i32, i32
  }
  func.func @transform_7(%arg0: i32) -> (i32, i32) {
    %c0_i32 = arith.constant 0 : i32
    %c0_i32_0 = arith.constant 0 : i32
    return %arg0, %c0_i32 : i32, i32
  }
}

</mosaic_0001>

<sc_bundles>
// kernel: kernel.5.cloned.1.call-start
scs
__scs_entry_jumppad:
0x0: {  	(pc) =	sbr.rel $0x88, $3  }
0x1: {  	(tag) =	ssettag $0x0;
	lr =	simm.s32 $0x1  }
0x2: {  	[smem:$0x3F96] =	sst lr;
	_ =	strace $0xD0000000  }
0x3: {  	_ = 	snop  }
0x4: {  	_ = 	snop  }
0x5: {  	_ = 	snop  }
0x6: {  	_ = 	snop  }
0x7: {  	_ = 	snop  }
__scs_overlays_trampoline_lowered:
0x8: {  	[smem:$0x3FA5] =	sst s0  }
0x9: {  	[smem:$0x3FA6] =	sst s1  }
0xa: {  	[smem:$0x3FA7] =	sst s2  }
0xb: {  	[smem:$0x3FA8] =	sst s3  }
0xc: {  	[smem:$0x3FA9] =	sst s4  }
0xd: {  	[smem:$0x3FAA] =	sst s5  }
0xe: {  	[smem:$0x3FAB] =	sst s6  }
0xf: {  	[smem:$0x3FAC] =	sst s7  }
0x10: {  	[smem:$0x3FAD] =	sst s8  }
0x11: {  	[smem:$0x3FAE] =	sst s9;
	s0 =	simm.s32 @!p0 $0x0  }
0x12: {  	s1 =	sld [smem:$0x3F94];
	s0 =	simm.s32 @p0 $0x1  }
0x13: {  	[smem:$0x3FAF] =	sst s0;
	s0 =	simm.s32 @!p1 $0x0  }
0x14: {  	s2 =	sld [smem:$0x3F93];
	s0 =	simm.s32 @p1 $0x1  }
0x15: {  	[smem:$0x3FB0] =	sst s0;
	s0 =	simm.s32 @!p2 $0x0  }
0x16: {  	s3 =	sld [smem:$0x3FDB];
	s0 =	simm.s32 @p2 $0x1  }
0x17: {  	s4 =	simm.s32 $0x1BF5;
	[smem:$0x3FB2] =	sst s0  }
0x18: {  	s0 =	sld [smem:$0x3F95];
	_ =	swait.ge [sflag:s4], $0x0  }
0x19: {  	s7 =	sld [smem:$0x3F96]  }
0x1a: {  	s8 =	sadd.s32 $0xFFFFE003, lr  }
0x1b: {  	s9 =	sadd.s32 $0xFFFFFEF7, lr;
	s5 =	simm.s32 $0xFFFFFFFF;
	p2 =	slt.u32 s8, $0xFFFFF086  }
0x1c: {  	p1 =	slt.u32 s9, $0xF7A;
	s5 =	simm.s32 @!p2 $0x0  }
0x1d: {  	s5 =	simm.s32 @p1 $0x1;
	p0 =	seq.s32 s7, s2  }
0x1e: {  	s7 =	smul.u32 @!p0 $0xF7A, s2;
	p2 =	seq.s32 @!p0 s5, $0x0  }
0x1f: {  	s9 =	smul.u32 $0xF7A, s1;
	s8 =	simm.s32 @!p0 $0x1BF5;
	p2 =	por !p2, p0  }
0x20: {  	[sflag:s8] =	ssyncset.s32 @!p0 $0xFFFFF086;
	s6 =	sadd.s32 @!p0 s3, s7;
	s7 =	simm.s32 @!p0 $0x108  }
0x21: {  	s3 =	sadd.s32 s3, s9;
	s6 =	sadd.s32 @!p0 $0x88, s6;
	s7 =	simm.s32 @p2 $0x1082  }
0x22: {  	[simem:s7], [sflag:s8] =	dma.local @!p0 [hbm:s6], $0xF7A  }
0x23: {  	s9 =	sor.u32 $0xD0000000, s2;
	s6 =	simm.s32 $0x108;
	_ =	swait.ge @!p0 [sflag:s8], $0x0  }
0x24: {  	s3 =	sadd.s32 $0x88, s3;
	s6 =	simm.s32 @!p1 $0x1082;
	[sflag:s4] =	ssyncset.s32 $0xFFFFF086  }
0x25: {  	[simem:s6], [sflag:s4] =	dma.local [hbm:s3], $0xF7A  }
0x26: {  	[smem:$0x3F96] =	sst s1;
	(tag) =	ssettag s2;
	_ =	strace s9  }
0x27: {  	s1 =	sld [smem:$0x3FA6]  }
0x28: {  	s2 =	sld [smem:$0x3FA7]  }
0x29: {  	s4 =	sld [smem:$0x3FA9]  }
0x2a: {  	p0 =	seq.s32 s5, $0x0;
	s5 =	sld [smem:$0x3FAA]  }
0x2b: {  	s6 =	sld [smem:$0x3FAB]  }
0x2c: {  	s7 =	sld [smem:$0x3FAC]  }
0x2d: {  	s3 =	simm.s32 $0x108;
	s8 =	sld [smem:$0x3FAD]  }
0x2e: {  	s3 =	simm.s32 @!p0 $0x1082;
	s9 =	sld [smem:$0x3FAE]  }
0x2f: {  	lr =	sadd.s32 s0, s3;
	s0 =	sld [smem:$0x3FA5]  }
0x30: {  	s3 =	sld [smem:$0x3FA8]  }
0x31: {  	[smem:$0x3FB1] =	sst s10  }
0x32: {  	s10 =	sld [smem:$0x3FAF];
	_ =	sdelay $0x3  }
0x33: {  	p0 =	seq.s32 s10, $0x1;
	s10 =	sld [smem:$0x3FB1];
	_ =	sdelay $0x3  }
0x34: {  	[smem:$0x3FB1] =	sst s10  }
0x35: {  	s10 =	sld [smem:$0x3FB0];
	_ =	sdelay $0x3  }
0x36: {  	p1 =	seq.s32 s10, $0x1;
	s10 =	sld [smem:$0x3FB1];
	_ =	sdelay $0x3  }
0x37: {  	[smem:$0x3FB1] =	sst s10  }
0x38: {  	s10 =	sld [smem:$0x3FB2]  }
0x39: {  	_ = 	snop;
	(pc) =	sbr.ind lr, $3  }
0x3a: {  	_ = 	snop  }
0x3b: {  	_ = 	snop  }
0x3c: {  	p2 =	seq.s32 s10, $0x1;
	s10 =	sld [smem:$0x3FB1]  }
0x3d: {  	_ =	shalt  }
0x3e: {  	_ =	shalt  }
0x3f: {  	_ =	shalt  }
0x40: {  	_ =	shalt  }
0x41: {  	_ =	shalt  }
0x42: {  	_ =	shalt  }
0x43: {  	_ =	shalt  }
0x44: {  	_ =	shalt  }
0x45: {  	_ =	shalt  }
0x46: {  	_ =	shalt  }
0x47: {  	_ =	shalt  }
0x48: {  	_ =	shalt  }
0x49: {  	_ =	shalt  }
0x4a: {  	_ =	shalt  }
0x4b: {  	_ =	shalt  }
0x4c: {  	_ =	shalt  }
0x4d: {  	_ =	shalt  }
0x4e: {  	_ =	shalt  }
0x4f: {  	_ =	shalt  }
0x50: {  	_ =	shalt  }
0x51: {  	_ =	shalt  }
0x52: {  	_ =	shalt  }
0x53: {  	_ =	shalt  }
0x54: {  	_ =	shalt  }
0x55: {  	_ =	shalt  }
0x56: {  	_ =	shalt  }
0x57: {  	_ =	shalt  }
0x58: {  	_ =	shalt  }
0x59: {  	_ =	shalt  }
0x5a: {  	_ =	shalt  }
0x5b: {  	_ =	shalt  }
0x5c: {  	_ =	shalt  }
0x5d: {  	_ =	shalt  }
0x5e: {  	_ =	shalt  }
0x5f: {  	_ =	shalt  }
0x60: {  	_ =	shalt  }
0x61: {  	_ =	shalt  }
0x62: {  	_ =	shalt  }
0x63: {  	_ =	shalt  }
0x64: {  	_ =	shalt  }
0x65: {  	_ =	shalt  }
0x66: {  	_ =	shalt  }
0x67: {  	_ =	shalt  }
0x68: {  	_ =	shalt  }
0x69: {  	_ =	shalt  }
0x6a: {  	_ =	shalt  }
0x6b: {  	_ =	shalt  }
0x6c: {  	_ =	shalt  }
0x6d: {  	_ =	shalt  }
0x6e: {  	_ =	shalt  }
0x6f: {  	_ =	shalt  }
0x70: {  	_ =	shalt  }
0x71: {  	_ =	shalt  }
0x72: {  	_ =	shalt  }
0x73: {  	_ =	shalt  }
0x74: {  	_ =	shalt  }
0x75: {  	_ =	shalt  }
0x76: {  	_ =	shalt  }
0x77: {  	_ =	shalt  }
0x78: {  	_ =	shalt  }
0x79: {  	_ =	shalt  }
0x7a: {  	_ =	shalt  }
0x7b: {  	_ =	shalt  }
0x7c: {  	_ =	shalt  }
0x7d: {  	_ =	shalt  }
0x7e: {  	_ =	shalt  }
0x7f: {  	_ =	shalt  }
0x80: {  	_ =	shalt  }
0x81: {  	_ =	shalt  }
0x82: {  	_ =	shalt  }
0x83: {  	_ =	shalt  }
0x84: {  	_ =	shalt  }
0x85: {  	_ =	shalt  }
0x86: {  	_ =	shalt  }
0x87: {  	_ =	shalt  }
.Lfunc_end0:
.L_simem_size_0:
called_computation_lowered:
.L_overlay_start_0:
0x88: {  	s2 =	sld [smem:$0x3FD9]  }
0x89: {  	s3 =	sld [smem:$0x3FFE];
	_ =	sdelay $0x1  }
0x8a: {  	s1 =	srdreg.scid  }
0x8b: {  	s0 =	sand.u32 $0x1, s1  }
0x8c: {  	s17 =	sshll.u32 s0, $0xA;
	s2 =	sadd.s32 s3, s2  }
0x8d: {  	s2 =	sadd.s32 s2, s17  }
0x8e: {  	[smem:$0x3FBD] =	sst s2  }
0x8f: {  	_ = 	snop  }
0x90: {  	s2 =	sld [smem:$0x3FC6]  }
0x91: {  	s18 =	sld [smem:$0x3FD0];
	(tm) =	ssettm $0x1  }
0x92: {  	s4 =	sld [smem:$0x3FFB];
	_ =	sdelay $0x3  }
0x93: {  	_ =	strace s4  }
0x94: {  	s4 =	sld [smem:$0x3FFC];
	_ =	sdelay $0x3  }
0x95: {  	_ =	strace s4  }
0x96: {  	s4 =	sld [smem:$0x3FFD];
	_ =	sdelay $0x3  }
0x97: {  	_ =	strace s4  }
0x98: {  	_ =	strace $0x8FFFFFFF  }
0x99: {  	s19 =	sld [smem:$0x3FDB];
	_ =	sdelay $0x1  }
0x9a: {  	s5 =	simm.s32 $_scs_section_size  }
0x9b: {  	s6 =	simm.s32 $_size__tile_overlayer_lowered;
	s7 =	simm.s32 $_tile_overlayer_lowered  }
0x9c: {  	s22 =	simm.s32 $0x1BFF;
	s21 =	sshll.u32 s7, $0x1;
	s4 =	sadd.s32 s5, s19  }
0x9d: {  	s8 =	simm.s32 $0x0;
	s20 =	sshll.u32 s6, $0x1;
	s6 =	sadd.s32 s21, s4  }
0x9e: {  	[timem:s8], [sflag:s22] =	dma.local [hbm:s6], s20  }
0x9f: {  	_ =	swait.ge [sflag:s22], s20  }
0xa0: {  	s5 =	ssub.s32 $0x0, s20;
	[sflag:s22] =	ssyncset.done $0x0  }
0xa1: {  	[sflag:s22] =	ssyncadd.s32 s5;
	_ =	sdelay $0x1  }
0xa2: {  	s23 =	simm.s32 $0x1B8B  }
0xa3: {  	_ =	swait.ge [sflag:s23], $0x1  }
0xa4: {  	[sflag:s23] =	ssyncset.done $0x0  }
0xa5: {  	s25 =	simm.s32 $0x1B8E;
	s24 =	sld [smem:$0x3FFE];
	[sflag:s23] =	ssyncadd.s32 $0xFFFFFFFF  }
0xa6: {  	s26 =	simm.s32 $execute0_lowered;
	[smem:$0x3FD2] =	sst s25  }
0xa7: {  	s6 =	sshll.u32 s26, $0x1;
	_ =	strace $0x80000046;
	[dreg:$0x1] =	wrdreg $0xFFFFFFFF  }
0xa8: {  	s28 =	simm.s32 $_size_execute0_lowered;
	s4 =	sadd.s32 s4, s6;
	[dreg:$0x0] =	wrdreg $0x0  }
0xa9: {  	s6 =	sshll.u32 s28, $0x1;
	[dreg:$0x2] =	wrdreg s4  }
0xaa: {  	[dreg:$0x3] =	wrdreg s6  }
0xab: {  	[dreg:$0x4] =	wrdreg $0xC0  }
0xac: {  	_ =	task [dreg:s8], $0x5FFFF  }
0xad: {  	[dreg:$0x1] =	wrdreg $0xFFFFFFFF  }
0xae: {  	[dreg:$0x0] =	wrdreg $0x60  }
0xaf: {  	[dreg:$0x2] =	wrdreg s24  }
0xb0: {  	[dreg:$0x3] =	wrdreg s18  }
0xb1: {  	[dreg:$0x4] =	wrdreg s2  }
0xb2: {  	[dreg:$0x5] =	wrdreg $0x9  }
0xb3: {  	_ =	task.clear_ibuf [dreg:s8], $0x6FFFF;
	_ =	strace $0x90000046  }
0xb4: {  	s29 =	simm.s32 $0x9;
	_ =	strace $0x80000048  }
0xb5: {  	_ =	swait.ge [sflag:s29], $0x1  }
0xb6: {  	[sflag:s29] =	ssyncadd.s32 $0xFFFFFFFF  }
0xb7: {  	_ =	strace $0x90000048  }
0xb8: {  	_ =	sfence  }
0xb9: {  	s30 =	sld [smem:$0x0];
	_ =	sdelay $0x2  }
0xba: {  	s31 =	sshll.u32 s1, $0xD;
	s1 =	sshrl.u32 s1, $0x2  }
0xbb: {  	s3 =	sand.u32 $0x4000, s31;
	s1 =	sadd.s32 s1, s30  }
0xbc: {  	s0 =	sor.u32 s3, s0;
	s1 =	sshll.u32 s1, $0x11  }
0xbd: {  	s0 =	sor.u32 s1, s0  }
0xbe: {  	s0 =	sadd.s32 $0x8F2B, s0  }
0xbf: {  	[sflag:s0] =	ssyncadd.remote.s32 $0x1  }
0xc0: {  	_ =	sfence.sel $0xFFFF  }
0xc1: {  	[dreg:$0x0] =	wrdreg $0xFFFFFFFF;
	(pc) =	sbr.abs _section_cstart, $3  }
0xc2: {  	[dreg:$0x1] =	wrdreg $0xFFFFFFFF  }
0xc3: {  	_ =	task.clear_ibuf [dreg:s8], $0x2FFFF;
	_ =	strace $0x9FFFFFFF  }
0xc4: {  	(tm) =	ssettm $0x7FFFFFFF  }
0xc5: {  	_ =	shalt  }
tec
execute0_lowered:
.L_overlay_start_1:
0x0: {  	(tag) =	ssettag $0x1  }
0x1: {  	s0 =	rddreg [dreg:$0x0]  }
0x2: {  	s1 =	simm.s32 $0x0;
	s30 =	srdreg.scid;
	s6 =	stileid.u32  }
0x3: {  	s17 =	simm.s32 $0x2;
	s24 =	simm.s32 $0x1;
	s16 =	simm.s32 $0x6B80  }
0x4: {  	s15 =	simm.s32 $0x7380;
	s19 =	simm.s32 $0x0;
	[smem:$0x7FF] =	sst s1  }
0x5: {  	s4 =	sadd.s32 $0x1C00, s0;
	s5 =	sadd.s32 $0x8AC00, s0;
	s7 =	sadd.s32 $0x112C00, s0  }
0x6: {  	s8 =	sadd.s32 $0x8A400, s0;
	s1 =	sand.u32 $0x1, s30;
	s9 =	sadd.s32 $0x89C00, s0  }
0x7: {  	s6 =	sshll.u32 s6, $0xA;
	s10 =	sadd.s32 $0x19AC00, s0;
	s12 =	sadd.s32 $0x1D00, s0  }
0x8: {  	s13 =	sadd.s32 $0x8AD00, s0;
	s14 =	sadd.s32 $0x112D00, s0;
	s2 =	ssub.s32 $0x2, s1  }
0x9: {  	s0 =	simm.s32 $0x5380;
	s1 =	sshll.u32 s1, $0x9;
	s3 =	sshrl.u32 s2, $0x1  }
0xa: {  	v2 =	vlaneseq.u32;
	_ =	strace $0x80000047;
	s11 =	sor.u32 s1, s6;
	s2 =	ssub.s32 s2, s3  }
0xb: {  	vm0 =	vmmov $0xffff;
	v1 =	vshrl.u32 v2, $0x3;
	s6 =	simm.s32 $0x5B80;
	s1 =	simm.s32 $0x7B80;
	s31 =	smax.u32 s2, $0x1  }
0xc: {  	v0 =	vand.u32 $0x7, v2;
	v2 =	vor.u32 $0x8, v2;
	v1 =	vmul.u32 $0x8, v1;
	s3 =	simm.s32 $0x8380;
	s2 =	simm.s32 $0x6380;
	[dreg:$0x4] =	wrdreg s31  }
.LBB2_1:
0xd: {  	[dreg:$0x5] =	wrdreg s19  }
0xe: {  	s18 =	rddreg [dreg:$0x2];
	s31 =	simm.s32 $0x0;
	s20 =	simm.s32 $0x180  }
0xf: {  	[tilespmem:s20], [sflag:$0x2] =	stream.linear.gather [hbm4b:s18+s31], $0x200, $0x38;
	[tilespmem:$0xA380] =	vst v63  }
0x10: {  	_ =	swait.ge [sflag:s17], $0x200  }
0x11: {  	[sflag:s17] =	ssyncset.done $0x0  }
0x12: {  	s18 =	simm.s32 $0x0;
	[sflag:s17] =	ssyncadd.s32 $0xFFFFFE00  }
.LBB2_2:
0x13: {  	s19 =	sshll.u32 s18, $0x4  }
0x14: {  	s19 =	sadd.s32 s11, s19  }
0x15: {  	s21 =	sshrl.u32 s19, $0x3  }
0x16: {  	s20 =	simm.s32 $0x0;
	s22 =	sadd.s32 s8, s21  }
0x17: {  	[tilespmem:s20], [sflag:$0x2] =	stream.linear.gather [hbm4b:s22+s20], $0x10, $0x38;
	[tilespmem:$0xA380] =	vst v63  }
0x18: {  	_ =	swait.ge [sflag:s17], $0x10  }
0x19: {  	[sflag:s17] =	ssyncset.done $0x0  }
0x1a: {  	s23 =	simm.s32 $0x80;
	s26 =	sadd.s32 s9, s21;
	[sflag:s17] =	ssyncadd.s32 $0xFFFFFFF0  }
0x1b: {  	[tilespmem:s23], [sflag:$0x2] =	stream.linear.gather [hbm4b:s26+s20], $0x10, $0x38;
	[tilespmem:$0xA380] =	vst v63  }
0x1c: {  	_ =	swait.ge [sflag:s17], $0x10  }
0x1d: {  	[sflag:s17] =	ssyncset.done $0x0  }
0x1e: {  	[sflag:s17] =	ssyncadd.s32 $0xFFFFFFF0  }
0x1f: {  	s28 =	rddreg [dreg:$0x1]  }
0x20: {  	s29 =	simm.s32 $0x100;
	s21 =	sadd.s32 s28, s21  }
0x21: {  	[tilespmem:s29], [sflag:$0x2] =	stream.linear.gather [hbm4b:s21+s20], $0x10, $0x38;
	[tilespmem:$0xA380] =	vst v63  }
0x22: {  	_ =	swait.ge [sflag:s17], $0x10  }
0x23: {  	[sflag:s17] =	ssyncset.done $0x0  }
0x24: {  	[sflag:s17] =	ssyncadd.s32 $0xFFFFFFF0  }
0x25: {  	v3 =	vld [tilespmem:$0x0];
	_ =	sdelay $0x4  }
0x26: {  	v4 =	vshll.u32 v3, $0x2  }
0x27: {  	v3 =	vand.u32 $0x7, v3;
	v4 =	vand.u32 $0xFFFFFFE0, v4  }
0x28: {  	v3 =	vor.u32 v3, v4  }
0x29: {  	v4 =	vperm.xlane v3, v0;
	_ =	sdelay $0x1  }
0x2a: {  	v4 =	vadd.s32 v1, v4;
	_ =	sdelay $0x1  }
0x2b: {  	v3 =	vperm.xlane v3, v2;
	_ =	sdelay $0x1  }
0x2c: {  	s30 =	simm.s32 $0x380;
	v3 =	vadd.s32 v1, v3  }
0x2d: {  	[tilespmem:s30], [sflag:$0x1] =	stream.indirect_vreg.gather [hbm4b:s4+s20], $0x80, v4, vm0, $0xb8;
	[tilespmem:$0xA380] =	vst v63  }
0x2e: {  	s31 =	simm.s32 $0xB80  }
0x2f: {  	[tilespmem:s31], [sflag:$0x1] =	stream.indirect_vreg.gather [hbm4b:s12+s20], $0x80, v4, vm0, $0xb8;
	[tilespmem:$0xA380] =	vst v63  }
0x30: {  	s22 =	simm.s32 $0x1380  }
0x31: {  	[tilespmem:s22], [sflag:$0x1] =	stream.indirect_vreg.gather [hbm4b:s4+s20], $0x80, v3, vm0, $0xb8;
	[tilespmem:$0xA380] =	vst v63  }
0x32: {  	s23 =	simm.s32 $0x1B80  }
0x33: {  	[tilespmem:s23], [sflag:$0x1] =	stream.indirect_vreg.gather [hbm4b:s12+s20], $0x80, v3, vm0, $0xb8;
	[tilespmem:$0xA380] =	vst v63  }
0x34: {  	_ =	swait.ge [sflag:s24], $0x2000  }
0x35: {  	[sflag:s24] =	ssyncset.done $0x0  }
0x36: {  	[sflag:s24] =	ssyncadd.s32 $0xFFFFE000  }
0x37: {  	v3 =	vld [tilespmem:$0x80];
	_ =	sdelay $0x4  }
0x38: {  	v61 =	vshll.u32 v3, $0x2  }
0x39: {  	v3 =	vand.u32 $0x7, v3;
	v4 =	vand.u32 $0xFFFFFFE0, v61  }
0x3a: {  	v3 =	vor.u32 v3, v4  }
0x3b: {  	v4 =	vperm.xlane v3, v0;
	_ =	sdelay $0x1  }
0x3c: {  	v4 =	vadd.s32 v1, v4;
	_ =	sdelay $0x1  }
0x3d: {  	v3 =	vperm.xlane v3, v2;
	_ =	sdelay $0x1  }
0x3e: {  	s25 =	simm.s32 $0x2380;
	v3 =	vadd.s32 v1, v3  }
0x3f: {  	[tilespmem:s25], [sflag:$0x1] =	stream.indirect_vreg.gather [hbm4b:s5+s20], $0x80, v4, vm0, $0xb8;
	[tilespmem:$0xA380] =	vst v63  }
0x40: {  	s26 =	simm.s32 $0x2B80  }
0x41: {  	[tilespmem:s26], [sflag:$0x1] =	stream.indirect_vreg.gather [hbm4b:s13+s20], $0x80, v4, vm0, $0xb8;
	[tilespmem:$0xA380] =	vst v63  }
0x42: {  	s28 =	simm.s32 $0x3380  }
0x43: {  	[tilespmem:s28], [sflag:$0x1] =	stream.indirect_vreg.gather [hbm4b:s5+s20], $0x80, v3, vm0, $0xb8;
	[tilespmem:$0xA380] =	vst v63  }
0x44: {  	s29 =	simm.s32 $0x3B80  }
0x45: {  	[tilespmem:s29], [sflag:$0x1] =	stream.indirect_vreg.gather [hbm4b:s13+s20], $0x80, v3, vm0, $0xb8;
	[tilespmem:$0xA380] =	vst v63  }
0x46: {  	_ =	swait.ge [sflag:s24], $0x2000  }
0x47: {  	[sflag:s24] =	ssyncset.done $0x0  }
0x48: {  	[sflag:s24] =	ssyncadd.s32 $0xFFFFE000  }
0x49: {  	v3 =	vld [tilespmem:$0x0];
	_ =	sdelay $0x4  }
0x4a: {  	v62 =	vshll.u32 v3, $0x2  }
0x4b: {  	v3 =	vand.u32 $0x7, v3;
	v4 =	vand.u32 $0xFFFFFFE0, v62  }
0x4c: {  	v3 =	vor.u32 v3, v4  }
0x4d: {  	v4 =	vperm.xlane v3, v0;
	_ =	sdelay $0x1  }
0x4e: {  	v4 =	vadd.s32 v1, v4;
	_ =	sdelay $0x1  }
0x4f: {  	v3 =	vperm.xlane v3, v2;
	_ =	sdelay $0x1  }
0x50: {  	s30 =	simm.s32 $0x4380;
	v3 =	vadd.s32 v1, v3  }
0x51: {  	[tilespmem:s30], [sflag:$0x1] =	stream.indirect_vreg.gather [hbm4b:s7+s20], $0x80, v4, vm0, $0xb8;
	[tilespmem:$0xA380] =	vst v63  }
0x52: {  	s31 =	simm.s32 $0x4B80  }
0x53: {  	[tilespmem:s31], [sflag:$0x1] =	stream.indirect_vreg.gather [hbm4b:s14+s20], $0x80, v4, vm0, $0xb8;
	[tilespmem:$0xA380] =	vst v63  }
0x54: {  	_ = 	snop  }
0x55: {  	[tilespmem:s0], [sflag:$0x1] =	stream.indirect_vreg.gather [hbm4b:s7+s20], $0x80, v3, vm0, $0xb8;
	[tilespmem:$0xA380] =	vst v63  }
0x56: {  	_ = 	snop  }
0x57: {  	[tilespmem:s6], [sflag:$0x1] =	stream.indirect_vreg.gather [hbm4b:s14+s20], $0x80, v3, vm0, $0xb8;
	[tilespmem:$0xA380] =	vst v63  }
0x58: {  	_ =	swait.ge [sflag:s24], $0x2000  }
0x59: {  	[sflag:s24] =	ssyncset.done $0x0  }
0x5a: {  	[sflag:s24] =	ssyncadd.s32 $0xFFFFE000  }
0x5b: {  	v3 =	vld [tilespmem:$0x100];
	_ =	sdelay $0x4  }
0x5c: {  	v63 =	vshll.u32 v3, $0x2  }
0x5d: {  	v3 =	vand.u32 $0x7, v3;
	v4 =	vand.u32 $0xFFFFFFE0, v63  }
0x5e: {  	v3 =	vor.u32 v3, v4  }
0x5f: {  	v4 =	vperm.xlane v3, v0;
	_ =	sdelay $0x1  }
0x60: {  	v4 =	vadd.s32 v1, v4;
	_ =	sdelay $0x1  }
0x61: {  	v3 =	vperm.xlane v3, v2;
	_ =	sdelay $0x1  }
0x62: {  	v3 =	vadd.s32 v1, v3  }
0x63: {  	[tilespmem:s2], [sflag:$0x1] =	stream.indirect_vreg.gather [hbm4b:s7+s20], $0x80, v4, vm0, $0xb8;
	[tilespmem:$0xA380] =	vst v63  }
0x64: {  	_ = 	snop  }
0x65: {  	[tilespmem:s16], [sflag:$0x1] =	stream.indirect_vreg.gather [hbm4b:s14+s20], $0x80, v4, vm0, $0xb8;
	[tilespmem:$0xA380] =	vst v63  }
0x66: {  	_ = 	snop  }
0x67: {  	[tilespmem:s15], [sflag:$0x1] =	stream.indirect_vreg.gather [hbm4b:s7+s20], $0x80, v3, vm0, $0xb8;
	[tilespmem:$0xA380] =	vst v63  }
0x68: {  	_ = 	snop  }
0x69: {  	[tilespmem:s1], [sflag:$0x1] =	stream.indirect_vreg.gather [hbm4b:s14+s20], $0x80, v3, vm0, $0xb8;
	[tilespmem:$0xA380] =	vst v63  }
0x6a: {  	_ =	swait.ge [sflag:s24], $0x2000  }
0x6b: {  	[sflag:s24] =	ssyncset.done $0x0  }
0x6c: {  	s21 =	simm.s32 $0x0;
	[sflag:s24] =	ssyncadd.s32 $0xFFFFE000  }
.LBB2_3:
0x6d: {  	s22 =	sshll.u32 s21, $0x9;
	s23 =	sshll.u32 s21, $0x7  }
0x6e: {  	s22 =	sand.u32 $0x1000, s22;
	s23 =	sand.u32 $0x380, s23  }
0x6f: {  	s26 =	sand.u32 $0xC00, s20;
	s22 =	sor.u32 s22, s23  }
0x70: {  	s25 =	sand.u32 $0x70, s20;
	s23 =	sor.u32 s26, s22  }
0x71: {  	s23 =	sor.u32 s25, s23  }
0x72: {  	v3 =	vld [tilespmem:s23+$0x4380]  }
0x73: {  	v4 =	vld [tilespmem:s23+$0x6380];
	_ =	sdelay $0x1  }
0x74: {  	s31 =	simm.s32 $0x80  }
0x75: {  	s26 =	simm.s32 $0x10;
	s25 =	sand.u32 $0xC00, s31;
	v5 =	vld [tilespmem:s23+$0x380]  }
0x76: {  	s26 =	sand.u32 $0x70, s26;
	s25 =	sor.u32 s25, s22  }
0x77: {  	v6 =	vld [tilespmem:s23+$0x2380];
	s25 =	sor.u32 s26, s25;
	s26 =	simm.s32 $0x180;
	v3 =	vadd.f32 v4, v3  }
0x78: {  	v7 =	vld [tilespmem:s26+$0x0]  }
0x79: {  	v8 =	vld [tilespmem:s25+$0x6380];
	v3 =	vmax.f32 v3, $0.0e+00  }
0x7a: {  	v4 =	vld [tilespmem:s25+$0x4380];
	v3 =	vadd.f32 v3, v5;
	_ =	sdelay $0x1  }
0x7b: {  	s28 =	simm.s32 $0x100;
	v5 =	vadd.f32 v3, v6  }
0x7c: {  	s29 =	simm.s32 $0x20;
	s30 =	sand.u32 $0xC00, s28;
	v3 =	vld [tilespmem:s25+$0x380]  }
0x7d: {  	s29 =	sand.u32 $0x70, s29;
	s30 =	sor.u32 s30, s22;
	v5 =	vadd.f32 v5, v7  }
0x7e: {  	s29 =	sor.u32 s29, s30;
	s30 =	simm.s32 $0x30;
	v6 =	vadd.f32 v8, v4;
	v4 =	vld [tilespmem:s25+$0x2380]  }
.LBB2_4:
0x7f: {  	p0 =	sne.s32 s30, $0x1F0;
	v7 =	vld [tilespmem:s29+$0x4380];
	[tilespmem:s23+$0x8380] =	vst v5;
	s26 =	sadd.s32 $0x10, s26;
	s23 =	smov.u32 s25  }
0x80: {  	s25 =	smov.u32 s29;
	v5 =	vmax.f32 v6, $0.0e+00;
	v6 =	vld [tilespmem:s26+$0x0]  }
0x81: {  	v8 =	vld [tilespmem:s25+$0x6380];
	v3 =	vadd.f32 v5, v3  }
.Ltmp0:
0x82: {  	(pc) =	sbr.rel @p0 .LBB2_4-.Ltmp0, $4  }
0x83: {  	s28 =	sadd.s32 $0x80, s28;
	v4 =	vadd.f32 v3, v4  }
0x84: {  	s29 =	sand.u32 $0xC00, s28;
	v3 =	vld [tilespmem:s25+$0x380]  }
0x85: {  	s31 =	sand.u32 $0x70, s30;
	s29 =	sor.u32 s29, s22;
	v5 =	vadd.f32 v4, v6  }
0x86: {  	s30 =	sadd.s32 $0x10, s30;
	s29 =	sor.u32 s31, s29;
	v6 =	vadd.f32 v8, v7;
	v4 =	vld [tilespmem:s25+$0x2380]  }
0x87: {  	v7 =	vld [tilespmem:s29+$0x4380];
	[tilespmem:s23+$0x8380] =	vst v5;
	s22 =	sadd.s32 $0x10, s26  }
0x88: {  	v58 =	vmax.f32 v6, $0.0e+00;
	v59 =	vld [tilespmem:s22+$0x0]  }
0x89: {  	v8 =	vld [tilespmem:s29+$0x6380];
	v3 =	vadd.f32 v58, v3;
	_ =	sdelay $0x1  }
0x8a: {  	v3 =	vadd.f32 v3, v4  }
0x8b: {  	v60 =	vld [tilespmem:s29+$0x380]  }
0x8c: {  	v3 =	vadd.f32 v3, v59  }
0x8d: {  	v62 =	vld [tilespmem:s29+$0x2380];
	v61 =	vadd.f32 v8, v7  }
0x8e: {  	s22 =	sadd.s32 $0x10, s22;
	[tilespmem:s25+$0x8380] =	vst v3  }
0x8f: {  	v3 =	vmax.f32 v61, $0.0e+00;
	v63 =	vld [tilespmem:s22+$0x0]  }
0x90: {  	s21 =	sadd.s32 $0x1, s21;
	v3 =	vadd.f32 v3, v60  }
0x91: {  	p0 =	sne.s32 s21, $0x10  }
.Ltmp1:
0x92: {  	v3 =	vadd.f32 v3, v62;
	(pc) =	sbr.rel @p0 .LBB2_3-.Ltmp1, $3  }
0x93: {  	_ = 	snop  }
0x94: {  	v3 =	vadd.f32 v3, v63;
	_ =	sdelay $0x1  }
0x95: {  	[tilespmem:s29+$0x8380] =	vst v3  }
0x96: {  	s18 =	sadd.s32 $0x1, s18  }
0x97: {  	s19 =	sshll.u32 s19, $0x6;
	p0 =	sne.s32 s18, $0x20  }
.Ltmp2:
0x98: {  	s20 =	simm.s32 $0x0;
	s19 =	sadd.s32 s10, s19;
	(pc) =	sbr.rel @p0 .LBB2_2-.Ltmp2, $4  }
0x99: {  	[hbm4b:s19+s20] =	stream.linear.scatter [tilespmem:s3], [sflag:$0x2], $0x2000, $0x38;
	[tilespmem:$0xA380] =	vst v63  }
0x9a: {  	_ =	swait.ge [sflag:s17], $0x2000  }
0x9b: {  	[sflag:s17] =	ssyncset.done $0x0  }
0x9c: {  	[sflag:s17] =	ssyncadd.s32 $0xFFFFE000  }
0x9d: {  	s19 =	rddreg [dreg:$0x5]  }
0x9e: {  	s18 =	rddreg [dreg:$0x4];
	s19 =	sadd.s32 $0x1, s19  }
0x9f: {  	p0 =	sne.s32 s19, s18  }
.Ltmp3:
0xa0: {  	_ = 	snop;
	(pc) =	sbr.rel @p0 .LBB2_1-.Ltmp3, $1  }
0xa1: {  	_ =	sdelay $0x3  }
0xa2: {  	_ =	sfence.sel $0x180000  }
0xa3: {  	[bflag:$0x0] =	sbarrier.arrive $0xFFFF  }
0xa4: {  	_ =	strace $0x90000047  }
0xa5: {  	s0 =	stileid.u32;
	[bflag:$0x2] =	sbarrier.arrive $0xFFFF  }
0xa6: {  	p0 =	sne.s32 s0, $0x0;
	s0 =	rddreg [dreg:$0x3]  }
0xa7: {  	s0 =	sadd.s32 @!p0 $0x100000, s0  }
0xa8: {  	[sflag:s0] =	ssyncadd.tile.s32 @!p0 $0x1;
	_ =	shalt  }
.Lfunc_end2:
_tile_overlayer_lowered:
.L_overlay_start_2:
0xa9: {  	(tag) =	ssettag $0x2  }
0xaa: {  	s0 =	rddreg [dreg:$0x0];
	s2 =	stileid.u32  }
0xab: {  	s1 =	rddreg [dreg:$0x1];
	p0 =	sne.s32 s2, $0x0  }
0xac: {  	s3 =	rddreg [dreg:$0x2];
	[bflag:$0x3] =	sbarrier.arrive $0xFFFF;
	s2 =	simm.s32 @!p0 $0x1C02  }
0xad: {  	[timem:s3], [sflag:s2] =	dma.local @!p0 [hbm:s0], s1  }
0xae: {  	s0 =	simm.s32 @!p0 $0x2  }
0xaf: {  	_ =	swait.ge @!p0 [sflag:s0], s1  }
0xb0: {  	s1 =	ssub.s32 @!p0 $0x0, s1;
	[sflag:s0] =	ssyncset.done @!p0 $0x0  }
0xb1: {  	[sflag:s0] =	ssyncadd.s32 @!p0 s1  }
0xb2: {  	[bflag:$0x3] =	sbarrier.arrive $0xFFFF  }
0xb3: {  	_ =	shalt  }

</sc_bundles>
